<compile_context>
chip_gen: v7x
topology: tpu7x:2x2x1
jax: 0.10.2.dev20260603
libtpu: 0.0.44.dev20260713+nightly
codegen_flags: <defaults>
</compile_context>

<pallas_src>
import functools

import jax
import jax.numpy as jnp
from jax import lax
from jax.experimental import pallas as pl
from jax.experimental.pallas import tpu as pltpu
from jax.experimental.pallas import tpu_sc as plsc

_BM = 128


def _route_kern(opt_ref, invp_ref, bounds_ref):
    opt = opt_ref[...]
    n_b, n_o = opt.shape
    e_iota = lax.broadcasted_iota(jnp.int32, (n_b, n_o), 1)
    oh = (opt == e_iota).astype(jnp.float32)
    gsz = _BM
    ng = n_b // gsz
    r = lax.broadcasted_iota(jnp.int32, (gsz, gsz), 0)
    c = lax.broadcasted_iota(jnp.int32, (gsz, gsz), 1)
    tri_incl = (r >= c).astype(jnp.float32)
    offs = jnp.zeros((1, n_o), jnp.float32)
    rank_excl = []
    for g in range(ng):
        oh_g = oh[g * gsz:(g + 1) * gsz, :]
        incl_g = jnp.dot(tri_incl, oh_g, preferred_element_type=jnp.float32)
        rank_excl.append(incl_g + offs - oh_g)
        offs = offs + incl_g[gsz - 1:, :]
    counts = offs
    r2 = lax.broadcasted_iota(jnp.int32, (n_o, n_o), 0)
    c2 = lax.broadcasted_iota(jnp.int32, (n_o, n_o), 1)
    strict_lt = (r2 < c2).astype(jnp.float32)
    starts = jnp.dot(counts, strict_lt,
                     preferred_element_type=jnp.float32)
    for g in range(ng):
        oh_g = oh[g * gsz:(g + 1) * gsz, :]
        pos_g = jnp.sum(oh_g * (starts + rank_excl[g]), axis=1, keepdims=True)
        invp_ref[g * gsz:(g + 1) * gsz, :] = pos_g.astype(jnp.int32)
    bounds_ref[...] = jnp.concatenate(
        [starts, starts + counts], axis=0).astype(jnp.int32)


def _tc_route(opt_bcast):
    n_b, n_o = opt_bcast.shape
    return pl.pallas_call(
        _route_kern,
        out_shape=(jax.ShapeDtypeStruct((n_b, 1), jnp.int32),
                   jax.ShapeDtypeStruct((2, n_o), jnp.int32)),
    )(opt_bcast)


def _mlp_kern(bnd_ref, xs_ref, invp_ref, l1_ref, l2_ref, ml_ref, lsl_ref,
              mb_ref, lsb_ref, out_ref, acc_ref):
    i = pl.program_id(0)
    nb = pl.num_programs(0) - 1
    n_o = l1_ref.shape[0]
    n_b = acc_ref.shape[0]
    a = mb_ref.shape[2]
    lo = i * _BM

    @pl.when(i < nb)
    def _():
        def count_lo(e, acc):
            return acc + jnp.where(bnd_ref[n_o + e] <= lo, 1, 0)

        def count_hi(e, acc):
            return acc + jnp.where(bnd_ref[e] < lo + _BM, 1, 0)

        e_lo = lax.fori_loop(0, n_o, count_lo, 0)
        e_hi = lax.fori_loop(0, n_o, count_hi, 0)
        x = xs_ref[...]
        rows = lo + lax.broadcasted_iota(jnp.int32, (_BM, 2 * a), 0)

        def body(e, _):
            s = bnd_ref[e]
            t = bnd_ref[n_o + e]
            h1 = jnp.maximum(
                jnp.dot(x, l1_ref[e], preferred_element_type=jnp.float32),
                0.0)
            h2 = jnp.maximum(
                jnp.dot(h1, l2_ref[e], preferred_element_type=jnp.float32),
                0.0)
            m = jnp.dot(h2, ml_ref[e], preferred_element_type=jnp.float32)
            m = m + mb_ref[e]
            l = jnp.dot(h2, lsl_ref[e], preferred_element_type=jnp.float32)
            l = l + lsb_ref[e]
            l = jnp.clip(l, -20.0, 2.0)
            mask = (rows >= s) & (rows < t)
            val = jnp.concatenate([m, l], axis=1)
            win = acc_ref[pl.ds(lo, _BM), :]
            acc_ref[pl.ds(lo, _BM), :] = jnp.where(mask, val, win)
            return 0

        lax.fori_loop(e_lo, e_hi, body, 0)

    @pl.when(i == nb)
    def _():
        invp_col = invp_ref[...]
        cols = lax.broadcasted_iota(jnp.int32, (n_b, n_b), 1)
        oh = (invp_col == cols).astype(jnp.float32)
        out_ref[...] = jnp.dot(oh, acc_ref[...],
                               preferred_element_type=jnp.float32)


def _tc_mlp(bounds_flat, xs, invp, linear1, linear2, ml, lsl, mb3, lsb3):
    n_b, n_i = xs.shape
    n_o, _, n_h = linear1.shape
    hc = linear2.shape[2]
    a = mb3.shape[2]
    nb = n_b // _BM
    grid_spec = pltpu.PrefetchScalarGridSpec(
        num_scalar_prefetch=1,
        grid=(nb + 1,),
        in_specs=[
            pl.BlockSpec((_BM, n_i), lambda i, b: (jnp.minimum(i, nb - 1), 0)),
            pl.BlockSpec((n_b, 1), lambda i, b: (0, 0)),
            pl.BlockSpec((n_o, n_i, n_h), lambda i, b: (0, 0, 0)),
            pl.BlockSpec((n_o, n_h, hc), lambda i, b: (0, 0, 0)),
            pl.BlockSpec((n_o, hc, a), lambda i, b: (0, 0, 0)),
            pl.BlockSpec((n_o, hc, a), lambda i, b: (0, 0, 0)),
            pl.BlockSpec((n_o, 1, a), lambda i, b: (0, 0, 0)),
            pl.BlockSpec((n_o, 1, a), lambda i, b: (0, 0, 0)),
        ],
        out_specs=pl.BlockSpec((n_b, 2 * a), lambda i, b: (0, 0)),
        scratch_shapes=[pltpu.VMEM((n_b, 2 * a), jnp.float32)],
    )
    return pl.pallas_call(
        _mlp_kern,
        grid_spec=grid_spec,
        out_shape=jax.ShapeDtypeStruct((n_b, 2 * a), jnp.float32),
        compiler_params=pltpu.CompilerParams(
            dimension_semantics=("arbitrary",)),
    )(bounds_flat, xs, invp, linear1, linear2, ml, lsl, mb3, lsb3)


def _sc_scatter_rows(data, invp_row):
    n_b, d = data.shape
    info = plsc.get_sparse_core_info()
    nw = info.num_cores * info.num_subcores
    bw = n_b // nw
    mesh = plsc.VectorSubcoreMesh(core_axis_name="c", subcore_axis_name="s")

    @functools.partial(
        pl.kernel, mesh=mesh,
        out_type=jax.ShapeDtypeStruct((n_b, d), jnp.float32),
        scratch_types=[pltpu.VMEM((bw,), jnp.int32),
                       pltpu.VMEM((bw, d), jnp.float32),
                       pltpu.SemaphoreType.DMA])
    def scatter_k(data_hbm, invp_hbm, out_hbm, idx_v, rows_v, sem):
        wid = lax.axis_index("s") * info.num_cores + lax.axis_index("c")
        base = wid * bw
        pltpu.sync_copy(invp_hbm.at[pl.ds(base, bw)], idx_v)
        pltpu.sync_copy(data_hbm.at[pl.ds(base, bw)], rows_v)
        pltpu.async_copy(rows_v, out_hbm.at[idx_v], sem).wait()

    return scatter_k(data, invp_row)


def kernel(state, option, linear1, linear2, mean_linear, log_std_linear,
           mean_bias, log_std_bias):
    n_b, _ = state.shape
    n_o = linear1.shape[0]
    a = mean_bias.shape[1]
    opt_bcast = jnp.broadcast_to(
        option.astype(jnp.int32).reshape(n_b, 1), (n_b, n_o))
    mb3 = mean_bias.reshape(n_o, 1, a)
    lsb3 = log_std_bias.reshape(n_o, 1, a)

    invp, bounds = _tc_route(opt_bcast)
    invp_row = invp.reshape(n_b)
    bounds_flat = bounds.reshape(2 * n_o)

    sorted_state = _sc_scatter_rows(state, invp_row)
    final = _tc_mlp(bounds_flat, sorted_state, invp, linear1, linear2,
                    mean_linear, log_std_linear, mb3, lsb3)
    return final[:, :a], final[:, a:2 * a]

# --- scband reference (transcript-rebuilt; emitter-appended) ---
"""Pipeline reference for scband-different-options-policy-network-87737591923437 (READ-ONLY COPY).

The authoritative reference and input builder live on the scoring server;
editing this copy changes nothing except your own understanding.
"""

import jax, jax.numpy as jnp
import numpy as np


def setup_inputs(seed: int = 0) -> dict:
    key = jax.random.key(seed)
    ks = jax.random.split(key, 8)
    B, I, H, O, A = 1024, 256, 256, 16, 16
    init_w = 0.003
    u = lambda k, s: jax.random.uniform(k, s, jnp.float32, -init_w, init_w)
    return {
        "state": jax.random.normal(ks[0], (B, I), dtype=jnp.float32),
        "option": jax.random.randint(ks[1], (B,), 0, O, dtype=jnp.int64),
        "linear1": u(ks[2], (O, I, H)),
        "linear2": u(ks[3], (O, H, H // O)),
        "mean_linear": u(ks[4], (O, H // O, A)),
        "log_std_linear": u(ks[5], (O, H // O, A)),
        "mean_bias": u(ks[6], (O, A)),
        "log_std_bias": u(ks[7], (O, A)),
    }


def reference(state, option, linear1, linear2, mean_linear, log_std_linear, mean_bias, log_std_bias):
    opt = option.astype(jnp.int32).reshape(-1)
    A = mean_bias.shape[1]
    # gather per-token expert weight matrices (memory-bound SparseCore gather)
    x = jax.nn.relu(jnp.matmul(state[:, None, :], jnp.take(linear1, opt, axis=0)))
    x = jax.nn.relu(jnp.matmul(x, jnp.take(linear2, opt, axis=0)))
    mean = jnp.matmul(x, jnp.take(mean_linear, opt, axis=0)).reshape(-1, A)
    mean = mean + jnp.take(mean_bias, opt, axis=0)
    log_std = jnp.matmul(x, jnp.take(log_std_linear, opt, axis=0)).reshape(-1, A)
    log_std = log_std + jnp.take(log_std_bias, opt, axis=0)
    log_std = jnp.clip(log_std, -20.0, 2.0)
    return (mean, log_std)

if __name__ == "__main__":
    import jax
    _d = setup_inputs()
    print(jax.jit(kernel)(*tuple(_d.values())))

</pallas_src>

<mosaic_0001>
#map = affine_map<(d0, d1) -> (0, 0)>
#map1 = affine_map<(d0, d1) -> (0)>
module attributes {stable_mosaic.version = 14 : i64} {
  func.func @scatter_k(%arg0: i32, %arg1: i32, %arg2: memref<1024x256xf32, #tpu.memory_space<hbm>>, %arg3: memref<1024xi32, #tpu.memory_space<hbm>>, %arg4: memref<1024x256xf32, #tpu.memory_space<hbm>>, %arg5: memref<32xi32, #tpu.memory_space<vmem>>, %arg6: memref<32x256xf32, #tpu.memory_space<vmem>>, %arg7: memref<!tpu.dma_semaphore, #tpu.memory_space<semaphore_mem>>) attributes {dimension_semantics = [#tpu.dimension_semantics<core_parallel>, #tpu.dimension_semantics<subcore_parallel>], iteration_bounds = array<i64: 2, 16>, scalar_prefetch = 0 : i64, scratch_operands = 3 : i64, tpu.core_type = #tpu.core_type<sc_vector_subcore>, window_params = [{transform_indices = #map}, {transform_indices = #map1}, {transform_indices = #map}]} {
    %mul3A = arith.constant 2 : i32
    %mul3A_0 = arith.muli %arg1, %mul3A : i32
    %add3A = arith.addi %mul3A_0, %arg0 : i32
    %mul3A_1 = arith.constant 32 : i32
    %mul3A_2 = arith.muli %add3A, %mul3A_1 : i32
    "tpu.region"() ({
      %run_scoped3A = tpu.sem_alloc : memref<!tpu.dma_semaphore, #tpu.memory_space<semaphore_mem>>
      %dma_start3A_7 = tpu.memref_slice %arg3[%mul3A_2] : memref<1024xi32, #tpu.memory_space<hbm>> -> memref<32xi32, #tpu.memory_space<hbm>>
      %dma_start3A_8 = tpu.memref_slice %arg3[%mul3A_2] : memref<1024xi32, #tpu.memory_space<hbm>> -> memref<32xi32, #tpu.memory_space<hbm>>
      tpu.enqueue_dma source(%dma_start3A_8 : memref<32xi32, #tpu.memory_space<hbm>>) target(%arg5 : memref<32xi32, #tpu.memory_space<vmem>>) target_semaphore(%run_scoped3A : memref<!tpu.dma_semaphore, #tpu.memory_space<semaphore_mem>>)
      %dma_wait3A_9 = tpu.memref_slice %arg3[%mul3A_2] : memref<1024xi32, #tpu.memory_space<hbm>> -> memref<32xi32, #tpu.memory_space<hbm>>
      %dma_wait3A_10 = tpu.memref_slice %arg3[%mul3A_2] : memref<1024xi32, #tpu.memory_space<hbm>> -> memref<32xi32, #tpu.memory_space<hbm>>
      tpu.wait_dma2 semaphore(%run_scoped3A : memref<!tpu.dma_semaphore, #tpu.memory_space<semaphore_mem>>) src(%dma_wait3A_10 : memref<32xi32, #tpu.memory_space<hbm>>) dst(%arg5 : memref<32xi32, #tpu.memory_space<vmem>>)
      tpu.yield
    }) : () -> ()
    "tpu.region"() ({
      %run_scoped3A = tpu.sem_alloc : memref<!tpu.dma_semaphore, #tpu.memory_space<semaphore_mem>>
      %dma_start3A_7 = arith.constant 0 : i32
      %dma_start3A_8 = tpu.memref_slice %arg2[%mul3A_2, %dma_start3A_7] : memref<1024x256xf32, #tpu.memory_space<hbm>> -> memref<32x256xf32, #tpu.memory_space<hbm>>
      %dma_start3A_9 = arith.constant 0 : i32
      %dma_start3A_10 = tpu.memref_slice %arg2[%mul3A_2, %dma_start3A_9] : memref<1024x256xf32, #tpu.memory_space<hbm>> -> memref<32x256xf32, #tpu.memory_space<hbm>>
      tpu.enqueue_dma source(%dma_start3A_10 : memref<32x256xf32, #tpu.memory_space<hbm>>) target(%arg6 : memref<32x256xf32, #tpu.memory_space<vmem>>) target_semaphore(%run_scoped3A : memref<!tpu.dma_semaphore, #tpu.memory_space<semaphore_mem>>)
      %dma_wait3A_11 = arith.constant 0 : i32
      %dma_wait3A_12 = tpu.memref_slice %arg2[%mul3A_2, %dma_wait3A_11] : memref<1024x256xf32, #tpu.memory_space<hbm>> -> memref<32x256xf32, #tpu.memory_space<hbm>>
      %dma_wait3A_13 = arith.constant 0 : i32
      %dma_wait3A_14 = tpu.memref_slice %arg2[%mul3A_2, %dma_wait3A_13] : memref<1024x256xf32, #tpu.memory_space<hbm>> -> memref<32x256xf32, #tpu.memory_space<hbm>>
      tpu.wait_dma2 semaphore(%run_scoped3A : memref<!tpu.dma_semaphore, #tpu.memory_space<semaphore_mem>>) src(%dma_wait3A_14 : memref<32x256xf32, #tpu.memory_space<hbm>>) dst(%arg6 : memref<32x256xf32, #tpu.memory_space<vmem>>)
      tpu.yield
    }) : () -> ()
    %dma_start3A = arith.constant 0 : i32
    %dma_start3A_3 = arith.constant 0 : i32
    %dma_start3A_4 = tpu.memref_slice %arg4[%dma_start3A, %dma_start3A_3] : memref<1024x256xf32, #tpu.memory_space<hbm>> -> memref<1024x256xf32, #tpu.memory_space<hbm>>
    tpu.enqueue_indirect_dma source(%arg6 : memref<32x256xf32, #tpu.memory_space<vmem>>) target(%dma_start3A_4 : memref<1024x256xf32, #tpu.memory_space<hbm>>) offsets(%arg5 : memref<32xi32, #tpu.memory_space<vmem>>) semaphore(%arg7 : memref<!tpu.dma_semaphore, #tpu.memory_space<semaphore_mem>>)
    %dma_wait3A = arith.constant 0 : i32
    %dma_wait3A_5 = arith.constant 0 : i32
    %dma_wait3A_6 = tpu.memref_slice %arg4[%dma_wait3A, %dma_wait3A_5] : memref<1024x256xf32, #tpu.memory_space<hbm>> -> memref<1024x256xf32, #tpu.memory_space<hbm>>
    tpu.wait_indirect_dma semaphore(%arg7 : memref<!tpu.dma_semaphore, #tpu.memory_space<semaphore_mem>>) src(%arg6 : memref<32x256xf32, #tpu.memory_space<vmem>>) dst(%dma_wait3A_6 : memref<1024x256xf32, #tpu.memory_space<hbm>>)
    return
  }
}

module attributes {stable_mosaic.version = 14 : i64} {
  func.func @_route_kern(%arg0: memref<1024x16xi32, #tpu.memory_space<vmem>>, %arg1: memref<1024x1xi32, #tpu.memory_space<vmem>>, %arg2: memref<2x16xi32, #tpu.memory_space<vmem>>) attributes {dimension_semantics = [], scalar_prefetch = 0 : i64, scratch_operands = 0 : i64, tpu.core_type = #tpu.core_type<tc>} {
    %get3A = arith.constant 0 : index
    %get3A_0 = arith.constant 0 : index
    %get3A_1 = vector.load %arg0[%get3A, %get3A_0] : memref<1024x16xi32, #tpu.memory_space<vmem>>, vector<1024x16xi32>
    %iota3A = tpu.iota {dimensions = array<i32: 1>} : vector<1024x16xi32>
    %eq3A = arith.cmpi eq, %get3A_1, %iota3A : vector<1024x16xi32>
    %convert_element_type3A = arith.extui %eq3A : vector<1024x16xi1> to vector<1024x16xi32>
    %convert_element_type3A_2 = arith.sitofp %convert_element_type3A : vector<1024x16xi32> to vector<1024x16xf32>
    %iota3A_3 = tpu.iota {dimensions = array<i32: 0>} : vector<128x128xi32>
    %iota3A_4 = tpu.iota {dimensions = array<i32: 1>} : vector<128x128xi32>
    %ge3A = arith.cmpi sge, %iota3A_3, %iota3A_4 : vector<128x128xi32>
    %convert_element_type3A_5 = arith.extui %ge3A : vector<128x128xi1> to vector<128x128xi32>
    %convert_element_type3A_6 = arith.sitofp %convert_element_type3A_5 : vector<128x128xi32> to vector<128x128xf32>
    %broadcast_in_dim3A = arith.constant 0.000000e+00 : f32
    %broadcast_in_dim3A_7 = vector.broadcast %broadcast_in_dim3A : f32 to vector<1x16xf32>
    %slice3A = vector.extract_strided_slice %convert_element_type3A_2 {offsets = [0, 0], sizes = [128, 16], strides = [1, 1]} : vector<1024x16xf32> to vector<128x16xf32>
    %dot_general3A = arith.constant dense<0.000000e+00> : vector<128x16xf32>
    %dot_general3A_8 = tpu.matmul %convert_element_type3A_6, %slice3A, %dot_general3A {dimension_numbers = #tpu.dot_dimension_numbers<[1], [0], [0], [1], [0, 0, 1, 1], [], []>, transpose_lhs_hint = false} : vector<128x128xf32>, vector<128x16xf32>, vector<128x16xf32> -> vector<128x16xf32>
    %add3A = vector.broadcast %broadcast_in_dim3A_7 : vector<1x16xf32> to vector<128x16xf32>
    %add3A_9 = arith.addf %dot_general3A_8, %add3A : vector<128x16xf32>
    %sub3A = arith.subf %add3A_9, %slice3A : vector<128x16xf32>
    %slice3A_10 = vector.extract_strided_slice %dot_general3A_8 {offsets = [127, 0], sizes = [1, 16], strides = [1, 1]} : vector<128x16xf32> to vector<1x16xf32>
    %add3A_11 = arith.addf %broadcast_in_dim3A_7, %slice3A_10 : vector<1x16xf32>
    %slice3A_12 = vector.extract_strided_slice %convert_element_type3A_2 {offsets = [128, 0], sizes = [128, 16], strides = [1, 1]} : vector<1024x16xf32> to vector<128x16xf32>
    %dot_general3A_13 = arith.constant dense<0.000000e+00> : vector<128x16xf32>
    %dot_general3A_14 = tpu.matmul %convert_element_type3A_6, %slice3A_12, %dot_general3A_13 {dimension_numbers = #tpu.dot_dimension_numbers<[1], [0], [0], [1], [0, 0, 1, 1], [], []>, transpose_lhs_hint = false} : vector<128x128xf32>, vector<128x16xf32>, vector<128x16xf32> -> vector<128x16xf32>
    %add3A_15 = vector.broadcast %add3A_11 : vector<1x16xf32> to vector<128x16xf32>
    %add3A_16 = arith.addf %dot_general3A_14, %add3A_15 : vector<128x16xf32>
    %sub3A_17 = arith.subf %add3A_16, %slice3A_12 : vector<128x16xf32>
    %slice3A_18 = vector.extract_strided_slice %dot_general3A_14 {offsets = [127, 0], sizes = [1, 16], strides = [1, 1]} : vector<128x16xf32> to vector<1x16xf32>
    %add3A_19 = arith.addf %add3A_11, %slice3A_18 : vector<1x16xf32>
    %slice3A_20 = vector.extract_strided_slice %convert_element_type3A_2 {offsets = [256, 0], sizes = [128, 16], strides = [1, 1]} : vector<1024x16xf32> to vector<128x16xf32>
    %dot_general3A_21 = arith.constant dense<0.000000e+00> : vector<128x16xf32>
    %dot_general3A_22 = tpu.matmul %convert_element_type3A_6, %slice3A_20, %dot_general3A_21 {dimension_numbers = #tpu.dot_dimension_numbers<[1], [0], [0], [1], [0, 0, 1, 1], [], []>, transpose_lhs_hint = false} : vector<128x128xf32>, vector<128x16xf32>, vector<128x16xf32> -> vector<128x16xf32>
    %add3A_23 = vector.broadcast %add3A_19 : vector<1x16xf32> to vector<128x16xf32>
    %add3A_24 = arith.addf %dot_general3A_22, %add3A_23 : vector<128x16xf32>
    %sub3A_25 = arith.subf %add3A_24, %slice3A_20 : vector<128x16xf32>
    %slice3A_26 = vector.extract_strided_slice %dot_general3A_22 {offsets = [127, 0], sizes = [1, 16], strides = [1, 1]} : vector<128x16xf32> to vector<1x16xf32>
    %add3A_27 = arith.addf %add3A_19, %slice3A_26 : vector<1x16xf32>
    %slice3A_28 = vector.extract_strided_slice %convert_element_type3A_2 {offsets = [384, 0], sizes = [128, 16], strides = [1, 1]} : vector<1024x16xf32> to vector<128x16xf32>
    %dot_general3A_29 = arith.constant dense<0.000000e+00> : vector<128x16xf32>
    %dot_general3A_30 = tpu.matmul %convert_element_type3A_6, %slice3A_28, %dot_general3A_29 {dimension_numbers = #tpu.dot_dimension_numbers<[1], [0], [0], [1], [0, 0, 1, 1], [], []>, transpose_lhs_hint = false} : vector<128x128xf32>, vector<128x16xf32>, vector<128x16xf32> -> vector<128x16xf32>
    %add3A_31 = vector.broadcast %add3A_27 : vector<1x16xf32> to vector<128x16xf32>
    %add3A_32 = arith.addf %dot_general3A_30, %add3A_31 : vector<128x16xf32>
    %sub3A_33 = arith.subf %add3A_32, %slice3A_28 : vector<128x16xf32>
    %slice3A_34 = vector.extract_strided_slice %dot_general3A_30 {offsets = [127, 0], sizes = [1, 16], strides = [1, 1]} : vector<128x16xf32> to vector<1x16xf32>
    %add3A_35 = arith.addf %add3A_27, %slice3A_34 : vector<1x16xf32>
    %slice3A_36 = vector.extract_strided_slice %convert_element_type3A_2 {offsets = [512, 0], sizes = [128, 16], strides = [1, 1]} : vector<1024x16xf32> to vector<128x16xf32>
    %dot_general3A_37 = arith.constant dense<0.000000e+00> : vector<128x16xf32>
    %dot_general3A_38 = tpu.matmul %convert_element_type3A_6, %slice3A_36, %dot_general3A_37 {dimension_numbers = #tpu.dot_dimension_numbers<[1], [0], [0], [1], [0, 0, 1, 1], [], []>, transpose_lhs_hint = false} : vector<128x128xf32>, vector<128x16xf32>, vector<128x16xf32> -> vector<128x16xf32>
    %add3A_39 = vector.broadcast %add3A_35 : vector<1x16xf32> to vector<128x16xf32>
    %add3A_40 = arith.addf %dot_general3A_38, %add3A_39 : vector<128x16xf32>
    %sub3A_41 = arith.subf %add3A_40, %slice3A_36 : vector<128x16xf32>
    %slice3A_42 = vector.extract_strided_slice %dot_general3A_38 {offsets = [127, 0], sizes = [1, 16], strides = [1, 1]} : vector<128x16xf32> to vector<1x16xf32>
    %add3A_43 = arith.addf %add3A_35, %slice3A_42 : vector<1x16xf32>
    %slice3A_44 = vector.extract_strided_slice %convert_element_type3A_2 {offsets = [640, 0], sizes = [128, 16], strides = [1, 1]} : vector<1024x16xf32> to vector<128x16xf32>
    %dot_general3A_45 = arith.constant dense<0.000000e+00> : vector<128x16xf32>
    %dot_general3A_46 = tpu.matmul %convert_element_type3A_6, %slice3A_44, %dot_general3A_45 {dimension_numbers = #tpu.dot_dimension_numbers<[1], [0], [0], [1], [0, 0, 1, 1], [], []>, transpose_lhs_hint = false} : vector<128x128xf32>, vector<128x16xf32>, vector<128x16xf32> -> vector<128x16xf32>
    %add3A_47 = vector.broadcast %add3A_43 : vector<1x16xf32> to vector<128x16xf32>
    %add3A_48 = arith.addf %dot_general3A_46, %add3A_47 : vector<128x16xf32>
    %sub3A_49 = arith.subf %add3A_48, %slice3A_44 : vector<128x16xf32>
    %slice3A_50 = vector.extract_strided_slice %dot_general3A_46 {offsets = [127, 0], sizes = [1, 16], strides = [1, 1]} : vector<128x16xf32> to vector<1x16xf32>
    %add3A_51 = arith.addf %add3A_43, %slice3A_50 : vector<1x16xf32>
    %slice3A_52 = vector.extract_strided_slice %convert_element_type3A_2 {offsets = [768, 0], sizes = [128, 16], strides = [1, 1]} : vector<1024x16xf32> to vector<128x16xf32>
    %dot_general3A_53 = arith.constant dense<0.000000e+00> : vector<128x16xf32>
    %dot_general3A_54 = tpu.matmul %convert_element_type3A_6, %slice3A_52, %dot_general3A_53 {dimension_numbers = #tpu.dot_dimension_numbers<[1], [0], [0], [1], [0, 0, 1, 1], [], []>, transpose_lhs_hint = false} : vector<128x128xf32>, vector<128x16xf32>, vector<128x16xf32> -> vector<128x16xf32>
    %add3A_55 = vector.broadcast %add3A_51 : vector<1x16xf32> to vector<128x16xf32>
    %add3A_56 = arith.addf %dot_general3A_54, %add3A_55 : vector<128x16xf32>
    %sub3A_57 = arith.subf %add3A_56, %slice3A_52 : vector<128x16xf32>
    %slice3A_58 = vector.extract_strided_slice %dot_general3A_54 {offsets = [127, 0], sizes = [1, 16], strides = [1, 1]} : vector<128x16xf32> to vector<1x16xf32>
    %add3A_59 = arith.addf %add3A_51, %slice3A_58 : vector<1x16xf32>
    %slice3A_60 = vector.extract_strided_slice %convert_element_type3A_2 {offsets = [896, 0], sizes = [128, 16], strides = [1, 1]} : vector<1024x16xf32> to vector<128x16xf32>
    %dot_general3A_61 = arith.constant dense<0.000000e+00> : vector<128x16xf32>
    %dot_general3A_62 = tpu.matmul %convert_element_type3A_6, %slice3A_60, %dot_general3A_61 {dimension_numbers = #tpu.dot_dimension_numbers<[1], [0], [0], [1], [0, 0, 1, 1], [], []>, transpose_lhs_hint = false} : vector<128x128xf32>, vector<128x16xf32>, vector<128x16xf32> -> vector<128x16xf32>
    %add3A_63 = vector.broadcast %add3A_59 : vector<1x16xf32> to vector<128x16xf32>
    %add3A_64 = arith.addf %dot_general3A_62, %add3A_63 : vector<128x16xf32>
    %sub3A_65 = arith.subf %add3A_64, %slice3A_60 : vector<128x16xf32>
    %slice3A_66 = vector.extract_strided_slice %dot_general3A_62 {offsets = [127, 0], sizes = [1, 16], strides = [1, 1]} : vector<128x16xf32> to vector<1x16xf32>
    %add3A_67 = arith.addf %add3A_59, %slice3A_66 : vector<1x16xf32>
    %iota3A_68 = tpu.iota {dimensions = array<i32: 0>} : vector<16x16xi32>
    %iota3A_69 = tpu.iota {dimensions = array<i32: 1>} : vector<16x16xi32>
    %lt3A = arith.cmpi slt, %iota3A_68, %iota3A_69 : vector<16x16xi32>
    %convert_element_type3A_70 = arith.extui %lt3A : vector<16x16xi1> to vector<16x16xi32>
    %convert_element_type3A_71 = arith.sitofp %convert_element_type3A_70 : vector<16x16xi32> to vector<16x16xf32>
    %dot_general3A_72 = arith.constant dense<0.000000e+00> : vector<1x16xf32>
    %dot_general3A_73 = tpu.matmul %add3A_67, %convert_element_type3A_71, %dot_general3A_72 {dimension_numbers = #tpu.dot_dimension_numbers<[1], [0], [0], [1], [0, 0, 1, 1], [], []>, transpose_lhs_hint = false} : vector<1x16xf32>, vector<16x16xf32>, vector<1x16xf32> -> vector<1x16xf32>
    %slice3A_74 = vector.extract_strided_slice %convert_element_type3A_2 {offsets = [0, 0], sizes = [128, 16], strides = [1, 1]} : vector<1024x16xf32> to vector<128x16xf32>
    %add3A_75 = vector.broadcast %dot_general3A_73 : vector<1x16xf32> to vector<128x16xf32>
    %add3A_76 = arith.addf %add3A_75, %sub3A : vector<128x16xf32>
    %mul3A = arith.mulf %slice3A_74, %add3A_76 : vector<128x16xf32>
    %reduce_sum3A = arith.constant dense<0.000000e+00> : vector<128xf32>
    %reduce_sum3A_77 = vector.multi_reduction <add>, %mul3A, %reduce_sum3A [1] : vector<128x16xf32> to vector<128xf32>
    %broadcast_in_dim3A_78 = vector.shape_cast %reduce_sum3A_77 : vector<128xf32> to vector<128x1xf32>
    %convert_element_type3A_79 = arith.fptosi %broadcast_in_dim3A_78 : vector<128x1xf32> to vector<128x1xi32>
    %swap3A = arith.constant 0 : index
    %swap3A_80 = arith.constant 0 : index
    %swap3A_81 = vector.load %arg1[%swap3A, %swap3A_80] : memref<1024x1xi32, #tpu.memory_space<vmem>>, vector<128x1xi32>
    tpu.vector_store %arg1[%swap3A, %swap3A_80], %convert_element_type3A_79 {strides = array<i32>} : memref<1024x1xi32, #tpu.memory_space<vmem>>, vector<128x1xi32>,
    %slice3A_82 = vector.extract_strided_slice %convert_element_type3A_2 {offsets = [128, 0], sizes = [128, 16], strides = [1, 1]} : vector<1024x16xf32> to vector<128x16xf32>
    %add3A_83 = vector.broadcast %dot_general3A_73 : vector<1x16xf32> to vector<128x16xf32>
    %add3A_84 = arith.addf %add3A_83, %sub3A_17 : vector<128x16xf32>
    %mul3A_85 = arith.mulf %slice3A_82, %add3A_84 : vector<128x16xf32>
    %reduce_sum3A_86 = arith.constant dense<0.000000e+00> : vector<128xf32>
    %reduce_sum3A_87 = vector.multi_reduction <add>, %mul3A_85, %reduce_sum3A_86 [1] : vector<128x16xf32> to vector<128xf32>
    %broadcast_in_dim3A_88 = vector.shape_cast %reduce_sum3A_87 : vector<128xf32> to vector<128x1xf32>
    %convert_element_type3A_89 = arith.fptosi %broadcast_in_dim3A_88 : vector<128x1xf32> to vector<128x1xi32>
    %swap3A_90 = arith.constant 128 : index
    %swap3A_91 = arith.constant 0 : index
    %swap3A_92 = vector.load %arg1[%swap3A_90, %swap3A_91] : memref<1024x1xi32, #tpu.memory_space<vmem>>, vector<128x1xi32>
    tpu.vector_store %arg1[%swap3A_90, %swap3A_91], %convert_element_type3A_89 {strides = array<i32>} : memref<1024x1xi32, #tpu.memory_space<vmem>>, vector<128x1xi32>,
    %slice3A_93 = vector.extract_strided_slice %convert_element_type3A_2 {offsets = [256, 0], sizes = [128, 16], strides = [1, 1]} : vector<1024x16xf32> to vector<128x16xf32>
    %add3A_94 = vector.broadcast %dot_general3A_73 : vector<1x16xf32> to vector<128x16xf32>
    %add3A_95 = arith.addf %add3A_94, %sub3A_25 : vector<128x16xf32>
    %mul3A_96 = arith.mulf %slice3A_93, %add3A_95 : vector<128x16xf32>
    %reduce_sum3A_97 = arith.constant dense<0.000000e+00> : vector<128xf32>
    %reduce_sum3A_98 = vector.multi_reduction <add>, %mul3A_96, %reduce_sum3A_97 [1] : vector<128x16xf32> to vector<128xf32>
    %broadcast_in_dim3A_99 = vector.shape_cast %reduce_sum3A_98 : vector<128xf32> to vector<128x1xf32>
    %convert_element_type3A_100 = arith.fptosi %broadcast_in_dim3A_99 : vector<128x1xf32> to vector<128x1xi32>
    %swap3A_101 = arith.constant 256 : index
    %swap3A_102 = arith.constant 0 : index
    %swap3A_103 = vector.load %arg1[%swap3A_101, %swap3A_102] : memref<1024x1xi32, #tpu.memory_space<vmem>>, vector<128x1xi32>
    tpu.vector_store %arg1[%swap3A_101, %swap3A_102], %convert_element_type3A_100 {strides = array<i32>} : memref<1024x1xi32, #tpu.memory_space<vmem>>, vector<128x1xi32>,
    %slice3A_104 = vector.extract_strided_slice %convert_element_type3A_2 {offsets = [384, 0], sizes = [128, 16], strides = [1, 1]} : vector<1024x16xf32> to vector<128x16xf32>
    %add3A_105 = vector.broadcast %dot_general3A_73 : vector<1x16xf32> to vector<128x16xf32>
    %add3A_106 = arith.addf %add3A_105, %sub3A_33 : vector<128x16xf32>
    %mul3A_107 = arith.mulf %slice3A_104, %add3A_106 : vector<128x16xf32>
    %reduce_sum3A_108 = arith.constant dense<0.000000e+00> : vector<128xf32>
    %reduce_sum3A_109 = vector.multi_reduction <add>, %mul3A_107, %reduce_sum3A_108 [1] : vector<128x16xf32> to vector<128xf32>
    %broadcast_in_dim3A_110 = vector.shape_cast %reduce_sum3A_109 : vector<128xf32> to vector<128x1xf32>
    %convert_element_type3A_111 = arith.fptosi %broadcast_in_dim3A_110 : vector<128x1xf32> to vector<128x1xi32>
    %swap3A_112 = arith.constant 384 : index
    %swap3A_113 = arith.constant 0 : index
    %swap3A_114 = vector.load %arg1[%swap3A_112, %swap3A_113] : memref<1024x1xi32, #tpu.memory_space<vmem>>, vector<128x1xi32>
    tpu.vector_store %arg1[%swap3A_112, %swap3A_113], %convert_element_type3A_111 {strides = array<i32>} : memref<1024x1xi32, #tpu.memory_space<vmem>>, vector<128x1xi32>,
    %slice3A_115 = vector.extract_strided_slice %convert_element_type3A_2 {offsets = [512, 0], sizes = [128, 16], strides = [1, 1]} : vector<1024x16xf32> to vector<128x16xf32>
    %add3A_116 = vector.broadcast %dot_general3A_73 : vector<1x16xf32> to vector<128x16xf32>
    %add3A_117 = arith.addf %add3A_116, %sub3A_41 : vector<128x16xf32>
    %mul3A_118 = arith.mulf %slice3A_115, %add3A_117 : vector<128x16xf32>
    %reduce_sum3A_119 = arith.constant dense<0.000000e+00> : vector<128xf32>
    %reduce_sum3A_120 = vector.multi_reduction <add>, %mul3A_118, %reduce_sum3A_119 [1] : vector<128x16xf32> to vector<128xf32>
    %broadcast_in_dim3A_121 = vector.shape_cast %reduce_sum3A_120 : vector<128xf32> to vector<128x1xf32>
    %convert_element_type3A_122 = arith.fptosi %broadcast_in_dim3A_121 : vector<128x1xf32> to vector<128x1xi32>
    %swap3A_123 = arith.constant 512 : index
    %swap3A_124 = arith.constant 0 : index
    %swap3A_125 = vector.load %arg1[%swap3A_123, %swap3A_124] : memref<1024x1xi32, #tpu.memory_space<vmem>>, vector<128x1xi32>
    tpu.vector_store %arg1[%swap3A_123, %swap3A_124], %convert_element_type3A_122 {strides = array<i32>} : memref<1024x1xi32, #tpu.memory_space<vmem>>, vector<128x1xi32>,
    %slice3A_126 = vector.extract_strided_slice %convert_element_type3A_2 {offsets = [640, 0], sizes = [128, 16], strides = [1, 1]} : vector<1024x16xf32> to vector<128x16xf32>
    %add3A_127 = vector.broadcast %dot_general3A_73 : vector<1x16xf32> to vector<128x16xf32>
    %add3A_128 = arith.addf %add3A_127, %sub3A_49 : vector<128x16xf32>
    %mul3A_129 = arith.mulf %slice3A_126, %add3A_128 : vector<128x16xf32>
    %reduce_sum3A_130 = arith.constant dense<0.000000e+00> : vector<128xf32>
    %reduce_sum3A_131 = vector.multi_reduction <add>, %mul3A_129, %reduce_sum3A_130 [1] : vector<128x16xf32> to vector<128xf32>
    %broadcast_in_dim3A_132 = vector.shape_cast %reduce_sum3A_131 : vector<128xf32> to vector<128x1xf32>
    %convert_element_type3A_133 = arith.fptosi %broadcast_in_dim3A_132 : vector<128x1xf32> to vector<128x1xi32>
    %swap3A_134 = arith.constant 640 : index
    %swap3A_135 = arith.constant 0 : index
    %swap3A_136 = vector.load %arg1[%swap3A_134, %swap3A_135] : memref<1024x1xi32, #tpu.memory_space<vmem>>, vector<128x1xi32>
    tpu.vector_store %arg1[%swap3A_134, %swap3A_135], %convert_element_type3A_133 {strides = array<i32>} : memref<1024x1xi32, #tpu.memory_space<vmem>>, vector<128x1xi32>,
    %slice3A_137 = vector.extract_strided_slice %convert_element_type3A_2 {offsets = [768, 0], sizes = [128, 16], strides = [1, 1]} : vector<1024x16xf32> to vector<128x16xf32>
    %add3A_138 = vector.broadcast %dot_general3A_73 : vector<1x16xf32> to vector<128x16xf32>
    %add3A_139 = arith.addf %add3A_138, %sub3A_57 : vector<128x16xf32>
    %mul3A_140 = arith.mulf %slice3A_137, %add3A_139 : vector<128x16xf32>
    %reduce_sum3A_141 = arith.constant dense<0.000000e+00> : vector<128xf32>
    %reduce_sum3A_142 = vector.multi_reduction <add>, %mul3A_140, %reduce_sum3A_141 [1] : vector<128x16xf32> to vector<128xf32>
    %broadcast_in_dim3A_143 = vector.shape_cast %reduce_sum3A_142 : vector<128xf32> to vector<128x1xf32>
    %convert_element_type3A_144 = arith.fptosi %broadcast_in_dim3A_143 : vector<128x1xf32> to vector<128x1xi32>
    %swap3A_145 = arith.constant 768 : index
    %swap3A_146 = arith.constant 0 : index
    %swap3A_147 = vector.load %arg1[%swap3A_145, %swap3A_146] : memref<1024x1xi32, #tpu.memory_space<vmem>>, vector<128x1xi32>
    tpu.vector_store %arg1[%swap3A_145, %swap3A_146], %convert_element_type3A_144 {strides = array<i32>} : memref<1024x1xi32, #tpu.memory_space<vmem>>, vector<128x1xi32>,
    %slice3A_148 = vector.extract_strided_slice %convert_element_type3A_2 {offsets = [896, 0], sizes = [128, 16], strides = [1, 1]} : vector<1024x16xf32> to vector<128x16xf32>
    %add3A_149 = vector.broadcast %dot_general3A_73 : vector<1x16xf32> to vector<128x16xf32>
    %add3A_150 = arith.addf %add3A_149, %sub3A_65 : vector<128x16xf32>
    %mul3A_151 = arith.mulf %slice3A_148, %add3A_150 : vector<128x16xf32>
    %reduce_sum3A_152 = arith.constant dense<0.000000e+00> : vector<128xf32>
    %reduce_sum3A_153 = vector.multi_reduction <add>, %mul3A_151, %reduce_sum3A_152 [1] : vector<128x16xf32> to vector<128xf32>
    %broadcast_in_dim3A_154 = vector.shape_cast %reduce_sum3A_153 : vector<128xf32> to vector<128x1xf32>
    %convert_element_type3A_155 = arith.fptosi %broadcast_in_dim3A_154 : vector<128x1xf32> to vector<128x1xi32>
    %swap3A_156 = arith.constant 896 : index
    %swap3A_157 = arith.constant 0 : index
    %swap3A_158 = vector.load %arg1[%swap3A_156, %swap3A_157] : memref<1024x1xi32, #tpu.memory_space<vmem>>, vector<128x1xi32>
    tpu.vector_store %arg1[%swap3A_156, %swap3A_157], %convert_element_type3A_155 {strides = array<i32>} : memref<1024x1xi32, #tpu.memory_space<vmem>>, vector<128x1xi32>,
    %add3A_159 = arith.addf %dot_general3A_73, %add3A_67 : vector<1x16xf32>
    %concatenate3A = tpu.concatenate %dot_general3A_73, %add3A_159 in 0 : vector<1x16xf32>, vector<1x16xf32> -> vector<2x16xf32>
    %convert_element_type3A_160 = arith.fptosi %concatenate3A : vector<2x16xf32> to vector<2x16xi32>
    %swap3A_161 = arith.constant 0 : index
    %swap3A_162 = arith.constant 0 : index
    %swap3A_163 = vector.load %arg2[%swap3A_161, %swap3A_162] : memref<2x16xi32, #tpu.memory_space<vmem>>, vector<2x16xi32>
    tpu.vector_store %arg2[%swap3A_161, %swap3A_162], %convert_element_type3A_160 {strides = array<i32>} : memref<2x16xi32, #tpu.memory_space<vmem>>, vector<2x16xi32>,
    return
  }
}

module attributes {stable_mosaic.version = 14 : i64} {
  func.func @_mlp_kern(%arg0: i32, %arg1: memref<32xi32, #tpu.memory_space<smem>>, %arg2: memref<128x256xf32, #tpu.memory_space<vmem>>, %arg3: memref<1024x1xi32, #tpu.memory_space<vmem>>, %arg4: memref<16x256x256xf32, #tpu.memory_space<vmem>>, %arg5: memref<16x256x16xf32, #tpu.memory_space<vmem>>, %arg6: memref<16x16x16xf32, #tpu.memory_space<vmem>>, %arg7: memref<16x16x16xf32, #tpu.memory_space<vmem>>, %arg8: memref<16x1x16xf32, #tpu.memory_space<vmem>>, %arg9: memref<16x1x16xf32, #tpu.memory_space<vmem>>, %arg10: memref<1024x32xf32, #tpu.memory_space<vmem>>, %arg11: memref<1024x32xf32, #tpu.memory_space<vmem>>) attributes {dimension_semantics = [#tpu.dimension_semantics<arbitrary>], iteration_bounds = array<i64: 9>, scalar_prefetch = 1 : i64, scratch_operands = 1 : i64, tpu.core_type = #tpu.core_type<tc>, window_params = [{transform_indices = @transform_0, window_bounds = array<i64: 128, 256>}, {pipeline_mode = #tpu.pipeline_mode<synchronous>, transform_indices = @transform_1, window_bounds = array<i64: 1024, 1>}, {pipeline_mode = #tpu.pipeline_mode<synchronous>, transform_indices = @transform_2, window_bounds = array<i64: 16, 256, 256>}, {pipeline_mode = #tpu.pipeline_mode<synchronous>, transform_indices = @transform_3, window_bounds = array<i64: 16, 256, 16>}, {pipeline_mode = #tpu.pipeline_mode<synchronous>, transform_indices = @transform_4, window_bounds = array<i64: 16, 16, 16>}, {pipeline_mode = #tpu.pipeline_mode<synchronous>, transform_indices = @transform_5, window_bounds = array<i64: 16, 16, 16>}, {pipeline_mode = #tpu.pipeline_mode<synchronous>, transform_indices = @transform_6, window_bounds = array<i64: 16, 1, 16>}, {pipeline_mode = #tpu.pipeline_mode<synchronous>, transform_indices = @transform_7, window_bounds = array<i64: 16, 1, 16>}, {pipeline_mode = #tpu.pipeline_mode<synchronous>, transform_indices = @transform_8, window_bounds = array<i64: 1024, 32>}]} {
    %mul3A = arith.constant 128 : i32
    %mul3A_0 = arith.muli %arg0, %mul3A : i32
    %lt3A = arith.constant 8 : i32
    %lt3A_1 = arith.cmpi slt, %arg0, %lt3A : i32
    %convert_element_type3A = arith.extui %lt3A_1 : i1 to i32
    %cond3A = arith.constant 0 : i32
    %cond3A_2 = arith.cmpi ne, %convert_element_type3A, %cond3A : i32
    scf.if %cond3A_2 {
      %scan3A = arith.constant 0 : i32
      %scan3A_7 = arith.constant 0 : i32
      %scan3A_8 = arith.constant 16 : i32
      %scan3A_9 = arith.addi %scan3A_7, %scan3A_8 : i32
      %scan3A_10 = arith.constant 1 : i32
      %scan3A_11 = scf.for %scan3A_33 = %scan3A_7 to %scan3A_9 step %scan3A_10 iter_args(%scan3A_34 = %scan3A) -> (i32)  : i32 {
        %add3A_35 = arith.constant 16 : i32
        %add3A_36 = arith.addi %add3A_35, %scan3A_33 : i32
        %get3A_37 = arith.index_cast %add3A_36 : i32 to index
        %get3A_38 = memref.load %arg1[%get3A_37] : memref<32xi32, #tpu.memory_space<smem>>
        %le3A = arith.cmpi sle, %get3A_38, %mul3A_0 : i32
        %jit3A = arith.constant 1 : i32
        %jit3A_39 = arith.constant 0 : i32
        %select_n3A = arith.select %le3A, %jit3A, %jit3A_39 : i32
        %add3A_40 = arith.addi %scan3A_34, %select_n3A : i32
        scf.yield %add3A_40 : i32
      }
      %scan3A_12 = arith.constant 16 : i32
      %scan3A_13 = arith.constant 0 : i32
      %scan3A_14 = arith.constant 0 : i32
      %scan3A_15 = arith.constant 16 : i32
      %scan3A_16 = arith.addi %scan3A_14, %scan3A_15 : i32
      %scan3A_17 = arith.constant 1 : i32
      %scan3A_18 = scf.for %scan3A_33 = %scan3A_14 to %scan3A_16 step %scan3A_17 iter_args(%scan3A_34 = %scan3A_13) -> (i32)  : i32 {
        %get3A_35 = arith.index_cast %scan3A_33 : i32 to index
        %get3A_36 = memref.load %arg1[%get3A_35] : memref<32xi32, #tpu.memory_space<smem>>
        %add3A_37 = arith.constant 128 : i32
        %add3A_38 = arith.addi %mul3A_0, %add3A_37 : i32
        %lt3A_39 = arith.cmpi slt, %get3A_36, %add3A_38 : i32
        %jit3A = arith.constant 1 : i32
        %jit3A_40 = arith.constant 0 : i32
        %select_n3A = arith.select %lt3A_39, %jit3A, %jit3A_40 : i32
        %add3A_41 = arith.addi %scan3A_34, %select_n3A : i32
        scf.yield %add3A_41 : i32
      }
      %scan3A_19 = arith.constant 16 : i32
      %get3A = arith.constant 0 : index
      %get3A_20 = arith.constant 0 : index
      %get3A_21 = vector.load %arg2[%get3A, %get3A_20] : memref<128x256xf32, #tpu.memory_space<vmem>>, vector<128x256xf32>
      %iota3A = tpu.iota {dimensions = array<i32: 0>} : vector<128x32xi32>
      %add3A = vector.broadcast %mul3A_0 : i32 to vector<128x32xi32>
      %add3A_22 = arith.addi %add3A, %iota3A : vector<128x32xi32>
      %while3A = arith.constant 0 : i32
      %while3A_23 = arith.subi %scan3A_18, %scan3A_11 : i32
      %while3A_24 = arith.addi %scan3A_11, %while3A_23 : i32
      %while3A_25 = arith.constant 1 : i32
      %while3A_26 = arith.divsi %while3A_23, %while3A_25 : i32
      %while3A_27 = arith.muli %while3A_26, %while3A_25 : i32
      %while3A_28 = arith.addi %scan3A_11, %while3A_27 : i32
      %while3A_29 = arith.constant 1 : i32
      %while3A_30 = scf.for %while3A_33 = %scan3A_11 to %while3A_28 step %while3A_29 iter_args(%while3A_34 = %while3A) -> (i32)  : i32 {
        %get3A_35 = arith.index_cast %while3A_33 : i32 to index
        %get3A_36 = memref.load %arg1[%get3A_35] : memref<32xi32, #tpu.memory_space<smem>>
        %add3A_37 = arith.constant 16 : i32
        %add3A_38 = arith.addi %add3A_37, %while3A_33 : i32
        %get3A_39 = arith.index_cast %add3A_38 : i32 to index
        %get3A_40 = memref.load %arg1[%get3A_39] : memref<32xi32, #tpu.memory_space<smem>>
        %get3A_41 = arith.index_cast %while3A_33 : i32 to index
        %get3A_42 = arith.constant 0 : index
        %get3A_43 = arith.constant 0 : index
        %get3A_44 = vector.load %arg4[%get3A_41, %get3A_42, %get3A_43] : memref<16x256x256xf32, #tpu.memory_space<vmem>>, vector<1x256x256xf32>
        %get3A_45 = vector.shape_cast %get3A_44 : vector<1x256x256xf32> to vector<256x256xf32>
        %dot_general3A = arith.constant dense<0.000000e+00> : vector<128x256xf32>
        %dot_general3A_46 = tpu.matmul %get3A_21, %get3A_45, %dot_general3A {dimension_numbers = #tpu.dot_dimension_numbers<[1], [0], [0], [1], [0, 0, 1, 1], [], []>, transpose_lhs_hint = false} : vector<128x256xf32>, vector<256x256xf32>, vector<128x256xf32> -> vector<128x256xf32>
        %max3A = arith.constant 0.000000e+00 : f32
        %max3A_47 = vector.broadcast %max3A : f32 to vector<128x256xf32>
        %max3A_48 = arith.maximumf %dot_general3A_46, %max3A_47 : vector<128x256xf32>
        %get3A_49 = arith.index_cast %while3A_33 : i32 to index
        %get3A_50 = arith.constant 0 : index
        %get3A_51 = arith.constant 0 : index
        %get3A_52 = vector.load %arg5[%get3A_49, %get3A_50, %get3A_51] : memref<16x256x16xf32, #tpu.memory_space<vmem>>, vector<1x256x16xf32>
        %get3A_53 = vector.shape_cast %get3A_52 : vector<1x256x16xf32> to vector<256x16xf32>
        %dot_general3A_54 = arith.constant dense<0.000000e+00> : vector<128x16xf32>
        %dot_general3A_55 = tpu.matmul %max3A_48, %get3A_53, %dot_general3A_54 {dimension_numbers = #tpu.dot_dimension_numbers<[1], [0], [0], [1], [0, 0, 1, 1], [], []>, transpose_lhs_hint = false} : vector<128x256xf32>, vector<256x16xf32>, vector<128x16xf32> -> vector<128x16xf32>
        %max3A_56 = arith.constant 0.000000e+00 : f32
        %max3A_57 = vector.broadcast %max3A_56 : f32 to vector<128x16xf32>
        %max3A_58 = arith.maximumf %dot_general3A_55, %max3A_57 : vector<128x16xf32>
        %get3A_59 = arith.index_cast %while3A_33 : i32 to index
        %get3A_60 = arith.constant 0 : index
        %get3A_61 = arith.constant 0 : index
        %get3A_62 = vector.load %arg6[%get3A_59, %get3A_60, %get3A_61] : memref<16x16x16xf32, #tpu.memory_space<vmem>>, vector<1x16x16xf32>
        %get3A_63 = vector.shape_cast %get3A_62 : vector<1x16x16xf32> to vector<16x16xf32>
        %dot_general3A_64 = arith.constant dense<0.000000e+00> : vector<128x16xf32>
        %dot_general3A_65 = tpu.matmul %max3A_58, %get3A_63, %dot_general3A_64 {dimension_numbers = #tpu.dot_dimension_numbers<[1], [0], [0], [1], [0, 0, 1, 1], [], []>, transpose_lhs_hint = false} : vector<128x16xf32>, vector<16x16xf32>, vector<128x16xf32> -> vector<128x16xf32>
        %get3A_66 = arith.index_cast %while3A_33 : i32 to index
        %get3A_67 = arith.constant 0 : index
        %get3A_68 = arith.constant 0 : index
        %get3A_69 = vector.load %arg8[%get3A_66, %get3A_67, %get3A_68] : memref<16x1x16xf32, #tpu.memory_space<vmem>>, vector<1x1x16xf32>
        %get3A_70 = vector.shape_cast %get3A_69 : vector<1x1x16xf32> to vector<1x16xf32>
        %add3A_71 = vector.broadcast %get3A_70 : vector<1x16xf32> to vector<128x16xf32>
        %add3A_72 = arith.addf %dot_general3A_65, %add3A_71 : vector<128x16xf32>
        %get3A_73 = arith.index_cast %while3A_33 : i32 to index
        %get3A_74 = arith.constant 0 : index
        %get3A_75 = arith.constant 0 : index
        %get3A_76 = vector.load %arg7[%get3A_73, %get3A_74, %get3A_75] : memref<16x16x16xf32, #tpu.memory_space<vmem>>, vector<1x16x16xf32>
        %get3A_77 = vector.shape_cast %get3A_76 : vector<1x16x16xf32> to vector<16x16xf32>
        %dot_general3A_78 = arith.constant dense<0.000000e+00> : vector<128x16xf32>
        %dot_general3A_79 = tpu.matmul %max3A_58, %get3A_77, %dot_general3A_78 {dimension_numbers = #tpu.dot_dimension_numbers<[1], [0], [0], [1], [0, 0, 1, 1], [], []>, transpose_lhs_hint = false} : vector<128x16xf32>, vector<16x16xf32>, vector<128x16xf32> -> vector<128x16xf32>
        %get3A_80 = arith.index_cast %while3A_33 : i32 to index
        %get3A_81 = arith.constant 0 : index
        %get3A_82 = arith.constant 0 : index
        %get3A_83 = vector.load %arg9[%get3A_80, %get3A_81, %get3A_82] : memref<16x1x16xf32, #tpu.memory_space<vmem>>, vector<1x1x16xf32>
        %get3A_84 = vector.shape_cast %get3A_83 : vector<1x1x16xf32> to vector<1x16xf32>
        %add3A_85 = vector.broadcast %get3A_84 : vector<1x16xf32> to vector<128x16xf32>
        %add3A_86 = arith.addf %dot_general3A_79, %add3A_85 : vector<128x16xf32>
        %jit3A = arith.constant -2.000000e+01 : f32
        %jit3A_87 = arith.constant 2.000000e+00 : f32
        %max3A_88 = vector.broadcast %jit3A : f32 to vector<128x16xf32>
        %max3A_89 = arith.maximumf %max3A_88, %add3A_86 : vector<128x16xf32>
        %min3A = vector.broadcast %jit3A_87 : f32 to vector<128x16xf32>
        %min3A_90 = arith.minimumf %min3A, %max3A_89 : vector<128x16xf32>
        %ge3A = vector.broadcast %get3A_36 : i32 to vector<128x32xi32>
        %ge3A_91 = arith.cmpi sge, %add3A_22, %ge3A : vector<128x32xi32>
        %lt3A_92 = vector.broadcast %get3A_40 : i32 to vector<128x32xi32>
        %lt3A_93 = arith.cmpi slt, %add3A_22, %lt3A_92 : vector<128x32xi32>
        %and3A = arith.andi %ge3A_91, %lt3A_93 : vector<128x32xi1>
        %concatenate3A = tpu.concatenate %add3A_72, %min3A_90 in 1 : vector<128x16xf32>, vector<128x16xf32> -> vector<128x32xf32>
        %get3A_94 = arith.index_cast %mul3A_0 : i32 to index
        %get3A_95 = arith.constant 0 : index
        %get3A_96 = vector.load %arg11[%get3A_94, %get3A_95] : memref<1024x32xf32, #tpu.memory_space<vmem>>, vector<128x32xf32>
        %select_n3A = arith.select %and3A, %concatenate3A, %get3A_96 : vector<128x32xi1>, vector<128x32xf32>
        %swap3A = arith.index_cast %mul3A_0 : i32 to index
        %swap3A_97 = arith.constant 0 : index
        %swap3A_98 = vector.load %arg11[%swap3A, %swap3A_97] : memref<1024x32xf32, #tpu.memory_space<vmem>>, vector<128x32xf32>
        tpu.vector_store %arg11[%swap3A, %swap3A_97], %select_n3A {strides = array<i32>} : memref<1024x32xf32, #tpu.memory_space<vmem>>, vector<128x32xf32>,
        %while3A_99 = arith.constant 0 : i32
        scf.yield %while3A_99 : i32
      }
      %while3A_31 = arith.constant 1 : i32
      %while3A_32 = scf.for %while3A_33 = %while3A_28 to %while3A_24 step %while3A_31 iter_args(%while3A_34 = %while3A_30) -> (i32)  : i32 {
        %get3A_35 = arith.index_cast %while3A_33 : i32 to index
        %get3A_36 = memref.load %arg1[%get3A_35] : memref<32xi32, #tpu.memory_space<smem>>
        %add3A_37 = arith.constant 16 : i32
        %add3A_38 = arith.addi %add3A_37, %while3A_33 : i32
        %get3A_39 = arith.index_cast %add3A_38 : i32 to index
        %get3A_40 = memref.load %arg1[%get3A_39] : memref<32xi32, #tpu.memory_space<smem>>
        %get3A_41 = arith.index_cast %while3A_33 : i32 to index
        %get3A_42 = arith.constant 0 : index
        %get3A_43 = arith.constant 0 : index
        %get3A_44 = vector.load %arg4[%get3A_41, %get3A_42, %get3A_43] : memref<16x256x256xf32, #tpu.memory_space<vmem>>, vector<1x256x256xf32>
        %get3A_45 = vector.shape_cast %get3A_44 : vector<1x256x256xf32> to vector<256x256xf32>
        %dot_general3A = arith.constant dense<0.000000e+00> : vector<128x256xf32>
        %dot_general3A_46 = tpu.matmul %get3A_21, %get3A_45, %dot_general3A {dimension_numbers = #tpu.dot_dimension_numbers<[1], [0], [0], [1], [0, 0, 1, 1], [], []>, transpose_lhs_hint = false} : vector<128x256xf32>, vector<256x256xf32>, vector<128x256xf32> -> vector<128x256xf32>
        %max3A = arith.constant 0.000000e+00 : f32
        %max3A_47 = vector.broadcast %max3A : f32 to vector<128x256xf32>
        %max3A_48 = arith.maximumf %dot_general3A_46, %max3A_47 : vector<128x256xf32>
        %get3A_49 = arith.index_cast %while3A_33 : i32 to index
        %get3A_50 = arith.constant 0 : index
        %get3A_51 = arith.constant 0 : index
        %get3A_52 = vector.load %arg5[%get3A_49, %get3A_50, %get3A_51] : memref<16x256x16xf32, #tpu.memory_space<vmem>>, vector<1x256x16xf32>
        %get3A_53 = vector.shape_cast %get3A_52 : vector<1x256x16xf32> to vector<256x16xf32>
        %dot_general3A_54 = arith.constant dense<0.000000e+00> : vector<128x16xf32>
        %dot_general3A_55 = tpu.matmul %max3A_48, %get3A_53, %dot_general3A_54 {dimension_numbers = #tpu.dot_dimension_numbers<[1], [0], [0], [1], [0, 0, 1, 1], [], []>, transpose_lhs_hint = false} : vector<128x256xf32>, vector<256x16xf32>, vector<128x16xf32> -> vector<128x16xf32>
        %max3A_56 = arith.constant 0.000000e+00 : f32
        %max3A_57 = vector.broadcast %max3A_56 : f32 to vector<128x16xf32>
        %max3A_58 = arith.maximumf %dot_general3A_55, %max3A_57 : vector<128x16xf32>
        %get3A_59 = arith.index_cast %while3A_33 : i32 to index
        %get3A_60 = arith.constant 0 : index
        %get3A_61 = arith.constant 0 : index
        %get3A_62 = vector.load %arg6[%get3A_59, %get3A_60, %get3A_61] : memref<16x16x16xf32, #tpu.memory_space<vmem>>, vector<1x16x16xf32>
        %get3A_63 = vector.shape_cast %get3A_62 : vector<1x16x16xf32> to vector<16x16xf32>
        %dot_general3A_64 = arith.constant dense<0.000000e+00> : vector<128x16xf32>
        %dot_general3A_65 = tpu.matmul %max3A_58, %get3A_63, %dot_general3A_64 {dimension_numbers = #tpu.dot_dimension_numbers<[1], [0], [0], [1], [0, 0, 1, 1], [], []>, transpose_lhs_hint = false} : vector<128x16xf32>, vector<16x16xf32>, vector<128x16xf32> -> vector<128x16xf32>
        %get3A_66 = arith.index_cast %while3A_33 : i32 to index
        %get3A_67 = arith.constant 0 : index
        %get3A_68 = arith.constant 0 : index
        %get3A_69 = vector.load %arg8[%get3A_66, %get3A_67, %get3A_68] : memref<16x1x16xf32, #tpu.memory_space<vmem>>, vector<1x1x16xf32>
        %get3A_70 = vector.shape_cast %get3A_69 : vector<1x1x16xf32> to vector<1x16xf32>
        %add3A_71 = vector.broadcast %get3A_70 : vector<1x16xf32> to vector<128x16xf32>
        %add3A_72 = arith.addf %dot_general3A_65, %add3A_71 : vector<128x16xf32>
        %get3A_73 = arith.index_cast %while3A_33 : i32 to index
        %get3A_74 = arith.constant 0 : index
        %get3A_75 = arith.constant 0 : index
        %get3A_76 = vector.load %arg7[%get3A_73, %get3A_74, %get3A_75] : memref<16x16x16xf32, #tpu.memory_space<vmem>>, vector<1x16x16xf32>
        %get3A_77 = vector.shape_cast %get3A_76 : vector<1x16x16xf32> to vector<16x16xf32>
        %dot_general3A_78 = arith.constant dense<0.000000e+00> : vector<128x16xf32>
        %dot_general3A_79 = tpu.matmul %max3A_58, %get3A_77, %dot_general3A_78 {dimension_numbers = #tpu.dot_dimension_numbers<[1], [0], [0], [1], [0, 0, 1, 1], [], []>, transpose_lhs_hint = false} : vector<128x16xf32>, vector<16x16xf32>, vector<128x16xf32> -> vector<128x16xf32>
        %get3A_80 = arith.index_cast %while3A_33 : i32 to index
        %get3A_81 = arith.constant 0 : index
        %get3A_82 = arith.constant 0 : index
        %get3A_83 = vector.load %arg9[%get3A_80, %get3A_81, %get3A_82] : memref<16x1x16xf32, #tpu.memory_space<vmem>>, vector<1x1x16xf32>
        %get3A_84 = vector.shape_cast %get3A_83 : vector<1x1x16xf32> to vector<1x16xf32>
        %add3A_85 = vector.broadcast %get3A_84 : vector<1x16xf32> to vector<128x16xf32>
        %add3A_86 = arith.addf %dot_general3A_79, %add3A_85 : vector<128x16xf32>
        %jit3A = arith.constant -2.000000e+01 : f32
        %jit3A_87 = arith.constant 2.000000e+00 : f32
        %max3A_88 = vector.broadcast %jit3A : f32 to vector<128x16xf32>
        %max3A_89 = arith.maximumf %max3A_88, %add3A_86 : vector<128x16xf32>
        %min3A = vector.broadcast %jit3A_87 : f32 to vector<128x16xf32>
        %min3A_90 = arith.minimumf %min3A, %max3A_89 : vector<128x16xf32>
        %ge3A = vector.broadcast %get3A_36 : i32 to vector<128x32xi32>
        %ge3A_91 = arith.cmpi sge, %add3A_22, %ge3A : vector<128x32xi32>
        %lt3A_92 = vector.broadcast %get3A_40 : i32 to vector<128x32xi32>
        %lt3A_93 = arith.cmpi slt, %add3A_22, %lt3A_92 : vector<128x32xi32>
        %and3A = arith.andi %ge3A_91, %lt3A_93 : vector<128x32xi1>
        %concatenate3A = tpu.concatenate %add3A_72, %min3A_90 in 1 : vector<128x16xf32>, vector<128x16xf32> -> vector<128x32xf32>
        %get3A_94 = arith.index_cast %mul3A_0 : i32 to index
        %get3A_95 = arith.constant 0 : index
        %get3A_96 = vector.load %arg11[%get3A_94, %get3A_95] : memref<1024x32xf32, #tpu.memory_space<vmem>>, vector<128x32xf32>
        %select_n3A = arith.select %and3A, %concatenate3A, %get3A_96 : vector<128x32xi1>, vector<128x32xf32>
        %swap3A = arith.index_cast %mul3A_0 : i32 to index
        %swap3A_97 = arith.constant 0 : index
        %swap3A_98 = vector.load %arg11[%swap3A, %swap3A_97] : memref<1024x32xf32, #tpu.memory_space<vmem>>, vector<128x32xf32>
        tpu.vector_store %arg11[%swap3A, %swap3A_97], %select_n3A {strides = array<i32>} : memref<1024x32xf32, #tpu.memory_space<vmem>>, vector<128x32xf32>,
        %while3A_99 = arith.constant 0 : i32
        scf.yield %while3A_99 : i32
      }
    } else {
    }
    %eq3A = arith.constant 8 : i32
    %eq3A_3 = arith.cmpi eq, %arg0, %eq3A : i32
    %convert_element_type3A_4 = arith.extui %eq3A_3 : i1 to i32
    %cond3A_5 = arith.constant 0 : i32
    %cond3A_6 = arith.cmpi ne, %convert_element_type3A_4, %cond3A_5 : i32
    scf.if %cond3A_6 {
      %get3A = arith.constant 0 : index
      %get3A_7 = arith.constant 0 : index
      %get3A_8 = vector.load %arg3[%get3A, %get3A_7] : memref<1024x1xi32, #tpu.memory_space<vmem>>, vector<1024x1xi32>
      %iota3A = tpu.iota {dimensions = array<i32: 1>} : vector<1024x1024xi32>
      %eq3A_9 = vector.broadcast %get3A_8 : vector<1024x1xi32> to vector<1024x1024xi32>
      %eq3A_10 = arith.cmpi eq, %eq3A_9, %iota3A : vector<1024x1024xi32>
      %convert_element_type3A_11 = arith.extui %eq3A_10 : vector<1024x1024xi1> to vector<1024x1024xi32>
      %convert_element_type3A_12 = arith.sitofp %convert_element_type3A_11 : vector<1024x1024xi32> to vector<1024x1024xf32>
      %get3A_13 = arith.constant 0 : index
      %get3A_14 = arith.constant 0 : index
      %get3A_15 = vector.load %arg11[%get3A_13, %get3A_14] : memref<1024x32xf32, #tpu.memory_space<vmem>>, vector<1024x32xf32>
      %dot_general3A = arith.constant dense<0.000000e+00> : vector<1024x32xf32>
      %dot_general3A_16 = tpu.matmul %convert_element_type3A_12, %get3A_15, %dot_general3A {dimension_numbers = #tpu.dot_dimension_numbers<[1], [0], [0], [1], [0, 0, 1, 1], [], []>, transpose_lhs_hint = false} : vector<1024x1024xf32>, vector<1024x32xf32>, vector<1024x32xf32> -> vector<1024x32xf32>
      %swap3A = arith.constant 0 : index
      %swap3A_17 = arith.constant 0 : index
      %swap3A_18 = vector.load %arg10[%swap3A, %swap3A_17] : memref<1024x32xf32, #tpu.memory_space<vmem>>, vector<1024x32xf32>
      tpu.vector_store %arg10[%swap3A, %swap3A_17], %dot_general3A_16 {strides = array<i32>} : memref<1024x32xf32, #tpu.memory_space<vmem>>, vector<1024x32xf32>,
    } else {
    }
    return
  }
  func.func @transform_0(%arg0: i32, %arg1: memref<32xi32, #tpu.memory_space<smem>>) -> (i32, i32) {
    %min3A = arith.constant 7 : i32
    %min3A_0 = arith.minsi %arg0, %min3A : i32
    %c0_i32 = arith.constant 0 : i32
    %c0_i32_1 = arith.constant 0 : i32
    return %min3A_0, %c0_i32 : i32, i32
  }
  func.func @transform_1(%arg0: i32, %arg1: memref<32xi32, #tpu.memory_space<smem>>) -> (i32, i32) {
    %c0_i32 = arith.constant 0 : i32
    %c0_i32_0 = arith.constant 0 : i32
    %c0_i32_1 = arith.constant 0 : i32
    return %c0_i32, %c0_i32_0 : i32, i32
  }
  func.func @transform_2(%arg0: i32, %arg1: memref<32xi32, #tpu.memory_space<smem>>) -> (i32, i32, i32) {
    %c0_i32 = arith.constant 0 : i32
    %c0_i32_0 = arith.constant 0 : i32
    %c0_i32_1 = arith.constant 0 : i32
    %c0_i32_2 = arith.constant 0 : i32
    return %c0_i32, %c0_i32_0, %c0_i32_1 : i32, i32, i32
  }
  func.func @transform_3(%arg0: i32, %arg1: memref<32xi32, #tpu.memory_space<smem>>) -> (i32, i32, i32) {
    %c0_i32 = arith.constant 0 : i32
    %c0_i32_0 = arith.constant 0 : i32
    %c0_i32_1 = arith.constant 0 : i32
    %c0_i32_2 = arith.constant 0 : i32
    return %c0_i32, %c0_i32_0, %c0_i32_1 : i32, i32, i32
  }
  func.func @transform_4(%arg0: i32, %arg1: memref<32xi32, #tpu.memory_space<smem>>) -> (i32, i32, i32) {
    %c0_i32 = arith.constant 0 : i32
    %c0_i32_0 = arith.constant 0 : i32
    %c0_i32_1 = arith.constant 0 : i32
    %c0_i32_2 = arith.constant 0 : i32
    return %c0_i32, %c0_i32_0, %c0_i32_1 : i32, i32, i32
  }
  func.func @transform_5(%arg0: i32, %arg1: memref<32xi32, #tpu.memory_space<smem>>) -> (i32, i32, i32) {
    %c0_i32 = arith.constant 0 : i32
    %c0_i32_0 = arith.constant 0 : i32
    %c0_i32_1 = arith.constant 0 : i32
    %c0_i32_2 = arith.constant 0 : i32
    return %c0_i32, %c0_i32_0, %c0_i32_1 : i32, i32, i32
  }
  func.func @transform_6(%arg0: i32, %arg1: memref<32xi32, #tpu.memory_space<smem>>) -> (i32, i32, i32) {
    %c0_i32 = arith.constant 0 : i32
    %c0_i32_0 = arith.constant 0 : i32
    %c0_i32_1 = arith.constant 0 : i32
    %c0_i32_2 = arith.constant 0 : i32
    return %c0_i32, %c0_i32_0, %c0_i32_1 : i32, i32, i32
  }
  func.func @transform_7(%arg0: i32, %arg1: memref<32xi32, #tpu.memory_space<smem>>) -> (i32, i32, i32) {
    %c0_i32 = arith.constant 0 : i32
    %c0_i32_0 = arith.constant 0 : i32
    %c0_i32_1 = arith.constant 0 : i32
    %c0_i32_2 = arith.constant 0 : i32
    return %c0_i32, %c0_i32_0, %c0_i32_1 : i32, i32, i32
  }
  func.func @transform_8(%arg0: i32, %arg1: memref<32xi32, #tpu.memory_space<smem>>) -> (i32, i32) {
    %c0_i32 = arith.constant 0 : i32
    %c0_i32_0 = arith.constant 0 : i32
    %c0_i32_1 = arith.constant 0 : i32
    return %c0_i32, %c0_i32_0 : i32, i32
  }
}

</mosaic_0001>

<sc_bundles>
// kernel: kernel.5.cloned.1.call-start
scs
__scs_entry_jumppad:
0x0: {  	(pc) =	sbr.rel $0x88, $3  }
0x1: {  	(tag) =	ssettag $0x0;
	lr =	simm.s32 $0x1  }
0x2: {  	[smem:$0x3F99] =	sst lr;
	_ =	strace $0xD0000000  }
0x3: {  	_ = 	snop  }
0x4: {  	_ = 	snop  }
0x5: {  	_ = 	snop  }
0x6: {  	_ = 	snop  }
0x7: {  	_ = 	snop  }
__scs_overlays_trampoline_lowered:
0x8: {  	[smem:$0x3FA8] =	sst s0  }
0x9: {  	[smem:$0x3FA9] =	sst s1  }
0xa: {  	[smem:$0x3FAA] =	sst s2  }
0xb: {  	[smem:$0x3FAB] =	sst s3  }
0xc: {  	[smem:$0x3FAC] =	sst s4  }
0xd: {  	[smem:$0x3FAD] =	sst s5  }
0xe: {  	[smem:$0x3FAE] =	sst s6  }
0xf: {  	[smem:$0x3FAF] =	sst s7  }
0x10: {  	[smem:$0x3FB0] =	sst s8  }
0x11: {  	[smem:$0x3FB1] =	sst s9;
	s0 =	simm.s32 @!p0 $0x0  }
0x12: {  	s1 =	sld [smem:$0x3F97];
	s0 =	simm.s32 @p0 $0x1  }
0x13: {  	[smem:$0x3FB2] =	sst s0;
	s0 =	simm.s32 @!p1 $0x0  }
0x14: {  	s2 =	sld [smem:$0x3F96];
	s0 =	simm.s32 @p1 $0x1  }
0x15: {  	[smem:$0x3FB3] =	sst s0;
	s0 =	simm.s32 @!p2 $0x0  }
0x16: {  	s3 =	sld [smem:$0x3FDB];
	s0 =	simm.s32 @p2 $0x1  }
0x17: {  	s4 =	simm.s32 $0x1BF5;
	[smem:$0x3FB5] =	sst s0  }
0x18: {  	s0 =	sld [smem:$0x3F98];
	_ =	swait.ge [sflag:s4], $0x0  }
0x19: {  	s7 =	sld [smem:$0x3F99]  }
0x1a: {  	s8 =	sadd.s32 $0xFFFFE003, lr  }
0x1b: {  	s9 =	sadd.s32 $0xFFFFFEF7, lr;
	s5 =	simm.s32 $0xFFFFFFFF;
	p2 =	slt.u32 s8, $0xFFFFF086  }
0x1c: {  	p1 =	slt.u32 s9, $0xF7A;
	s5 =	simm.s32 @!p2 $0x0  }
0x1d: {  	s5 =	simm.s32 @p1 $0x1;
	p0 =	seq.s32 s7, s2  }
0x1e: {  	s7 =	smul.u32 @!p0 $0xF7A, s2;
	p2 =	seq.s32 @!p0 s5, $0x0  }
0x1f: {  	s9 =	smul.u32 $0xF7A, s1;
	s8 =	simm.s32 @!p0 $0x1BF5;
	p2 =	por !p2, p0  }
0x20: {  	[sflag:s8] =	ssyncset.s32 @!p0 $0xFFFFF086;
	s6 =	sadd.s32 @!p0 s3, s7;
	s7 =	simm.s32 @!p0 $0x108  }
0x21: {  	s3 =	sadd.s32 s3, s9;
	s6 =	sadd.s32 @!p0 $0x88, s6;
	s7 =	simm.s32 @p2 $0x1082  }
0x22: {  	[simem:s7], [sflag:s8] =	dma.local @!p0 [hbm:s6], $0xF7A  }
0x23: {  	s9 =	sor.u32 $0xD0000000, s2;
	s6 =	simm.s32 $0x108;
	_ =	swait.ge @!p0 [sflag:s8], $0x0  }
0x24: {  	s3 =	sadd.s32 $0x88, s3;
	s6 =	simm.s32 @!p1 $0x1082;
	[sflag:s4] =	ssyncset.s32 $0xFFFFF086  }
0x25: {  	[simem:s6], [sflag:s4] =	dma.local [hbm:s3], $0xF7A  }
0x26: {  	[smem:$0x3F99] =	sst s1;
	(tag) =	ssettag s2;
	_ =	strace s9  }
0x27: {  	s1 =	sld [smem:$0x3FA9]  }
0x28: {  	s2 =	sld [smem:$0x3FAA]  }
0x29: {  	s4 =	sld [smem:$0x3FAC]  }
0x2a: {  	p0 =	seq.s32 s5, $0x0;
	s5 =	sld [smem:$0x3FAD]  }
0x2b: {  	s6 =	sld [smem:$0x3FAE]  }
0x2c: {  	s7 =	sld [smem:$0x3FAF]  }
0x2d: {  	s3 =	simm.s32 $0x108;
	s8 =	sld [smem:$0x3FB0]  }
0x2e: {  	s3 =	simm.s32 @!p0 $0x1082;
	s9 =	sld [smem:$0x3FB1]  }
0x2f: {  	lr =	sadd.s32 s0, s3;
	s0 =	sld [smem:$0x3FA8]  }
0x30: {  	s3 =	sld [smem:$0x3FAB]  }
0x31: {  	[smem:$0x3FB4] =	sst s10  }
0x32: {  	s10 =	sld [smem:$0x3FB2];
	_ =	sdelay $0x3  }
0x33: {  	p0 =	seq.s32 s10, $0x1;
	s10 =	sld [smem:$0x3FB4];
	_ =	sdelay $0x3  }
0x34: {  	[smem:$0x3FB4] =	sst s10  }
0x35: {  	s10 =	sld [smem:$0x3FB3];
	_ =	sdelay $0x3  }
0x36: {  	p1 =	seq.s32 s10, $0x1;
	s10 =	sld [smem:$0x3FB4];
	_ =	sdelay $0x3  }
0x37: {  	[smem:$0x3FB4] =	sst s10  }
0x38: {  	s10 =	sld [smem:$0x3FB5]  }
0x39: {  	_ = 	snop;
	(pc) =	sbr.ind lr, $3  }
0x3a: {  	_ = 	snop  }
0x3b: {  	_ = 	snop  }
0x3c: {  	p2 =	seq.s32 s10, $0x1;
	s10 =	sld [smem:$0x3FB4]  }
0x3d: {  	_ =	shalt  }
0x3e: {  	_ =	shalt  }
0x3f: {  	_ =	shalt  }
0x40: {  	_ =	shalt  }
0x41: {  	_ =	shalt  }
0x42: {  	_ =	shalt  }
0x43: {  	_ =	shalt  }
0x44: {  	_ =	shalt  }
0x45: {  	_ =	shalt  }
0x46: {  	_ =	shalt  }
0x47: {  	_ =	shalt  }
0x48: {  	_ =	shalt  }
0x49: {  	_ =	shalt  }
0x4a: {  	_ =	shalt  }
0x4b: {  	_ =	shalt  }
0x4c: {  	_ =	shalt  }
0x4d: {  	_ =	shalt  }
0x4e: {  	_ =	shalt  }
0x4f: {  	_ =	shalt  }
0x50: {  	_ =	shalt  }
0x51: {  	_ =	shalt  }
0x52: {  	_ =	shalt  }
0x53: {  	_ =	shalt  }
0x54: {  	_ =	shalt  }
0x55: {  	_ =	shalt  }
0x56: {  	_ =	shalt  }
0x57: {  	_ =	shalt  }
0x58: {  	_ =	shalt  }
0x59: {  	_ =	shalt  }
0x5a: {  	_ =	shalt  }
0x5b: {  	_ =	shalt  }
0x5c: {  	_ =	shalt  }
0x5d: {  	_ =	shalt  }
0x5e: {  	_ =	shalt  }
0x5f: {  	_ =	shalt  }
0x60: {  	_ =	shalt  }
0x61: {  	_ =	shalt  }
0x62: {  	_ =	shalt  }
0x63: {  	_ =	shalt  }
0x64: {  	_ =	shalt  }
0x65: {  	_ =	shalt  }
0x66: {  	_ =	shalt  }
0x67: {  	_ =	shalt  }
0x68: {  	_ =	shalt  }
0x69: {  	_ =	shalt  }
0x6a: {  	_ =	shalt  }
0x6b: {  	_ =	shalt  }
0x6c: {  	_ =	shalt  }
0x6d: {  	_ =	shalt  }
0x6e: {  	_ =	shalt  }
0x6f: {  	_ =	shalt  }
0x70: {  	_ =	shalt  }
0x71: {  	_ =	shalt  }
0x72: {  	_ =	shalt  }
0x73: {  	_ =	shalt  }
0x74: {  	_ =	shalt  }
0x75: {  	_ =	shalt  }
0x76: {  	_ =	shalt  }
0x77: {  	_ =	shalt  }
0x78: {  	_ =	shalt  }
0x79: {  	_ =	shalt  }
0x7a: {  	_ =	shalt  }
0x7b: {  	_ =	shalt  }
0x7c: {  	_ =	shalt  }
0x7d: {  	_ =	shalt  }
0x7e: {  	_ =	shalt  }
0x7f: {  	_ =	shalt  }
0x80: {  	_ =	shalt  }
0x81: {  	_ =	shalt  }
0x82: {  	_ =	shalt  }
0x83: {  	_ =	shalt  }
0x84: {  	_ =	shalt  }
0x85: {  	_ =	shalt  }
0x86: {  	_ =	shalt  }
0x87: {  	_ =	shalt  }
.Lfunc_end0:
.L_simem_size_0:
called_computation_lowered:
.L_overlay_start_0:
0x88: {  	s2 =	sld [smem:$0x3FD9]  }
0x89: {  	s3 =	sld [smem:$0x3FFE];
	_ =	sdelay $0x1  }
0x8a: {  	s1 =	srdreg.scid  }
0x8b: {  	s0 =	sand.u32 $0x1, s1  }
0x8c: {  	s14 =	sshll.u32 s0, $0xA;
	s2 =	sadd.s32 s3, s2  }
0x8d: {  	s2 =	sadd.s32 s2, s14  }
0x8e: {  	[smem:$0x3FC0] =	sst s2  }
0x8f: {  	_ = 	snop  }
0x90: {  	s2 =	sld [smem:$0x3FD0];
	_ =	sdelay $0x2  }
0x91: {  	s4 =	simm.s32 $0xA;
	s5 =	simm.s32 $0x10;
	s15 =	sld [smem:$0x3FC9]  }
0x92: {  	[smem:s5], [sflag:s4] =	dma.local [hbm:s2], $0x1  }
0x93: {  	_ =	swait.eq [sflag:s4], $0x1  }
0x94: {  	[sflag:s4] =	ssyncset.done $0x0  }
0x95: {  	[sflag:s4] =	ssyncadd.s32 $0xFFFFFFFF  }
0x96: {  	s16 =	sld [smem:$0x11];
	(tm) =	ssettm $0x1  }
0x97: {  	s17 =	sld [smem:$0x3FFB];
	_ =	sdelay $0x3  }
0x98: {  	_ =	strace s17  }
0x99: {  	s4 =	sld [smem:$0x3FFC];
	_ =	sdelay $0x3  }
0x9a: {  	_ =	strace s4  }
0x9b: {  	s4 =	sld [smem:$0x3FFD];
	_ =	sdelay $0x3  }
0x9c: {  	_ =	strace s4  }
0x9d: {  	_ =	strace $0x8FFFFFFF  }
0x9e: {  	s18 =	sld [smem:$0x3FDB];
	_ =	sdelay $0x1  }
0x9f: {  	s19 =	simm.s32 $_scs_section_size  }
0xa0: {  	s6 =	simm.s32 $_size__tile_overlayer_lowered;
	s7 =	simm.s32 $_tile_overlayer_lowered  }
0xa1: {  	s22 =	simm.s32 $0x1BFF;
	s21 =	sshll.u32 s7, $0x1;
	s4 =	sadd.s32 s19, s18  }
0xa2: {  	s8 =	simm.s32 $0x0;
	s20 =	sshll.u32 s6, $0x1;
	s6 =	sadd.s32 s21, s4  }
0xa3: {  	[timem:s8], [sflag:s22] =	dma.local [hbm:s6], s20  }
0xa4: {  	_ =	swait.ge [sflag:s22], s20  }
0xa5: {  	s5 =	ssub.s32 $0x0, s20;
	[sflag:s22] =	ssyncset.done $0x0  }
0xa6: {  	[sflag:s22] =	ssyncadd.s32 s5;
	_ =	sdelay $0x1  }
0xa7: {  	s23 =	simm.s32 $0x1B8B  }
0xa8: {  	_ =	swait.ge [sflag:s23], $0x1  }
0xa9: {  	[sflag:s23] =	ssyncset.done $0x0  }
0xaa: {  	s25 =	simm.s32 $0x1B8E;
	s24 =	sld [smem:$0x3FFE];
	[sflag:s23] =	ssyncadd.s32 $0xFFFFFFFF  }
0xab: {  	s26 =	simm.s32 $execute0_lowered;
	[smem:$0x3FD2] =	sst s25  }
0xac: {  	s6 =	sshll.u32 s26, $0x1;
	_ =	strace $0x80000046;
	[dreg:$0x1] =	wrdreg $0xFFFFFFFF  }
0xad: {  	s28 =	simm.s32 $_size_execute0_lowered;
	s4 =	sadd.s32 s4, s6;
	[dreg:$0x0] =	wrdreg $0x0  }
0xae: {  	s6 =	sshll.u32 s28, $0x1;
	[dreg:$0x2] =	wrdreg s4  }
0xaf: {  	[dreg:$0x3] =	wrdreg s6  }
0xb0: {  	[dreg:$0x4] =	wrdreg $0xC0  }
0xb1: {  	_ =	task [dreg:s8], $0x5FFFF  }
0xb2: {  	[dreg:$0x1] =	wrdreg $0xFFFFFFFF  }
0xb3: {  	[dreg:$0x0] =	wrdreg $0x60  }
0xb4: {  	[dreg:$0x2] =	wrdreg s15  }
0xb5: {  	[dreg:$0x3] =	wrdreg s16  }
0xb6: {  	[dreg:$0x4] =	wrdreg s24  }
0xb7: {  	[dreg:$0x5] =	wrdreg $0x9  }
0xb8: {  	_ =	task.clear_ibuf [dreg:s8], $0x6FFFF;
	_ =	strace $0x90000046  }
0xb9: {  	s29 =	simm.s32 $0x9;
	_ =	strace $0x80000048  }
0xba: {  	_ =	swait.ge [sflag:s29], $0x1  }
0xbb: {  	[sflag:s29] =	ssyncadd.s32 $0xFFFFFFFF  }
0xbc: {  	_ =	strace $0x90000048  }
0xbd: {  	_ =	sfence  }
0xbe: {  	s30 =	sld [smem:$0x0];
	_ =	sdelay $0x2  }
0xbf: {  	s31 =	sshll.u32 s1, $0xD;
	s1 =	sshrl.u32 s1, $0x2  }
0xc0: {  	s3 =	sand.u32 $0x4000, s31;
	s1 =	sadd.s32 s1, s30  }
0xc1: {  	s0 =	sor.u32 s3, s0;
	s1 =	sshll.u32 s1, $0x11  }
0xc2: {  	s0 =	sor.u32 s1, s0  }
0xc3: {  	s0 =	sadd.s32 $0x8F2B, s0  }
0xc4: {  	[sflag:s0] =	ssyncadd.remote.s32 $0x1  }
0xc5: {  	_ =	sfence.sel $0xFFFF  }
0xc6: {  	[dreg:$0x0] =	wrdreg $0xFFFFFFFF;
	(pc) =	sbr.abs _section_cstart, $3  }
0xc7: {  	[dreg:$0x1] =	wrdreg $0xFFFFFFFF  }
0xc8: {  	_ =	task.clear_ibuf [dreg:s8], $0x2FFFF;
	_ =	strace $0x9FFFFFFF  }
0xc9: {  	(tm) =	ssettm $0x7FFFFFFF  }
tec
execute0_lowered:
.L_overlay_start_1:
0x0: {  	(tag) =	ssettag $0x1  }
0x1: {  	s5 =	rddreg [dreg:$0x0]  }
0x2: {  	s4 =	rddreg [dreg:$0x1]  }
0x3: {  	s3 =	rddreg [dreg:$0x2]  }
0x4: {  	s0 =	rddreg [dreg:$0x3]  }
0x5: {  	s2 =	simm.s32 $0x0;
	s6 =	srdreg.scid;
	s1 =	stileid.u32  }
0x6: {  	s10 =	simm.s32 $0x1080;
	s11 =	simm.s32 $0x1880;
	s12 =	simm.s32 $0x1  }
0x7: {  	[smem:$0x7FF] =	sst s2;
	s6 =	sand.u32 $0x1, s6;
	s8 =	sshll.u32 s1, $0x6  }
0x8: {  	s3 =	sadd.s32 $0x1200, s3;
	s7 =	ssub.s32 $0x2, s6;
	s6 =	sshll.u32 s6, $0x5  }
0x9: {  	_ =	strace $0x80000047;
	s9 =	sshrl.u32 s7, $0x1;
	s6 =	sor.u32 s6, s8  }
0xa: {  	v2 =	vlaneseq.u32;
	s7 =	ssub.s32 s7, s9;
	s8 =	sshrl.u32 s6, $0x3;
	s6 =	sshll.u32 s6, $0x5  }
0xb: {  	vm0 =	vmmov $0xffff;
	v1 =	vshrl.u32 v2, $0x3;
	s9 =	simm.s32 $0x880;
	s4 =	sadd.s32 s4, s8;
	s5 =	sadd.s32 s5, s6  }
0xc: {  	v0 =	vand.u32 $0x7, v2;
	v2 =	vor.u32 $0x8, v2;
	v1 =	vmul.u32 $0x8, v1;
	s6 =	smax.u32 s7, $0x1;
	s7 =	simm.s32 $0x2;
	s8 =	simm.s32 $0x80  }
.LBB2_1:
0xd: {  	[tilespmem:s2], [sflag:$0x2] =	stream.linear.gather [hbm4b:s4+s2], $0x20, $0x38;
	[tilespmem:$0x2080] =	vst v63  }
0xe: {  	_ =	swait.ge [sflag:s7], $0x20  }
0xf: {  	[sflag:s7] =	ssyncset.done $0x0  }
0x10: {  	[sflag:s7] =	ssyncadd.s32 $0xFFFFFFE0  }
0x11: {  	[tilespmem:s8], [sflag:$0x2] =	stream.linear.gather [hbm4b:s5+s2], $0x2000, $0x38;
	[tilespmem:$0x2080] =	vst v63  }
0x12: {  	_ =	swait.ge [sflag:s7], $0x2000  }
0x13: {  	[sflag:s7] =	ssyncset.done $0x0  }
0x14: {  	[sflag:s7] =	ssyncadd.s32 $0xFFFFE000  }
0x15: {  	v3 =	vld [tilespmem:$0x0];
	_ =	sdelay $0x4  }
0x16: {  	v4 =	vshll.u32 v3, $0x1  }
0x17: {  	v3 =	vand.u32 $0x7, v3;
	v4 =	vand.u32 $0xFFFFFFF0, v4  }
0x18: {  	v3 =	vor.u32 v3, v4  }
0x19: {  	v4 =	vperm.xlane v3, v0;
	_ =	sdelay $0x1  }
0x1a: {  	v3 =	vperm.xlane v3, v2;
	v4 =	vadd.s32 v1, v4;
	_ =	sdelay $0x1  }
0x1b: {  	v3 =	vadd.s32 v1, v3;
	_ =	sdelay $0x2  }
0x1c: {  	[hbm4b:s3+s2] =	stream.indirect_vreg.scatter [tilespmem:s8], [sflag:$0x1], $0x80, v4, vm0, $0xb8;
	[tilespmem:$0x2080] =	vst v63  }
0x1d: {  	_ = 	snop  }
0x1e: {  	[hbm4b:s3+s2] =	stream.indirect_vreg.scatter [tilespmem:s9], [sflag:$0x1], $0x80, v3, vm0, $0xb8;
	[tilespmem:$0x2080] =	vst v63  }
0x1f: {  	v3 =	vld [tilespmem:$0x10];
	_ =	sdelay $0x4  }
0x20: {  	v63 =	vshll.u32 v3, $0x1  }
0x21: {  	v3 =	vand.u32 $0x7, v3;
	v4 =	vand.u32 $0xFFFFFFF0, v63  }
0x22: {  	v3 =	vor.u32 v3, v4  }
0x23: {  	v4 =	vperm.xlane v3, v0;
	_ =	sdelay $0x1  }
0x24: {  	v3 =	vperm.xlane v3, v2;
	v4 =	vadd.s32 v1, v4;
	_ =	sdelay $0x1  }
0x25: {  	v3 =	vadd.s32 v1, v3;
	_ =	sdelay $0x1  }
0x26: {  	p0 =	sne.s32 s6, $0x1  }
0x27: {  	[hbm4b:s3+s2] =	stream.indirect_vreg.scatter [tilespmem:s10], [sflag:$0x1], $0x80, v4, vm0, $0xb8;
	[tilespmem:$0x2080] =	vst v63  }
.Ltmp0:
0x28: {  	_ = 	snop;
	(pc) =	sbr.rel @p0 .LBB2_1-.Ltmp0, $4  }
0x29: {  	[hbm4b:s3+s2] =	stream.indirect_vreg.scatter [tilespmem:s11], [sflag:$0x1], $0x80, v3, vm0, $0xb8;
	[tilespmem:$0x2080] =	vst v63  }
0x2a: {  	_ =	swait.ge [sflag:s12], $0x2000  }
0x2b: {  	[sflag:s12] =	ssyncset.done $0x0  }
0x2c: {  	s6 =	sadd.s32 $0xFFFFFFFF, s6;
	[sflag:s12] =	ssyncadd.s32 $0xFFFFE000  }
0x2d: {  	_ =	sfence.sel $0x180000  }
0x2e: {  	[bflag:$0x0] =	sbarrier.arrive $0xFFFF  }
0x2f: {  	p0 =	sne.s32 s1, $0x0;
	_ =	strace $0x90000047  }
0x30: {  	s0 =	sadd.s32 @!p0 $0x100000, s0;
	[bflag:$0x2] =	sbarrier.arrive $0xFFFF  }
0x31: {  	[sflag:s0] =	ssyncadd.tile.s32 @!p0 $0x1;
	_ =	shalt  }
.Lfunc_end2:
_tile_overlayer_lowered:
.L_overlay_start_2:
0x32: {  	(tag) =	ssettag $0x2  }
0x33: {  	s0 =	rddreg [dreg:$0x0];
	s2 =	stileid.u32  }
0x34: {  	s1 =	rddreg [dreg:$0x1];
	p0 =	sne.s32 s2, $0x0  }
0x35: {  	s3 =	rddreg [dreg:$0x2];
	[bflag:$0x3] =	sbarrier.arrive $0xFFFF;
	s2 =	simm.s32 @!p0 $0x1C02  }
0x36: {  	[timem:s3], [sflag:s2] =	dma.local @!p0 [hbm:s0], s1  }
0x37: {  	s0 =	simm.s32 @!p0 $0x2  }
0x38: {  	_ =	swait.ge @!p0 [sflag:s0], s1  }
0x39: {  	s1 =	ssub.s32 @!p0 $0x0, s1;
	[sflag:s0] =	ssyncset.done @!p0 $0x0  }
0x3a: {  	[sflag:s0] =	ssyncadd.s32 @!p0 s1  }
0x3b: {  	[bflag:$0x3] =	sbarrier.arrive $0xFFFF  }
0x3c: {  	_ =	shalt  }

</sc_bundles>
